<compile_context>
chip_gen: v7x
topology: tpu7x:2x2x1
jax: 0.10.2.dev20260603
libtpu: 0.0.44.dev20260713+nightly
codegen_flags: <defaults>
</compile_context>

<pallas_src>
import functools

import jax
import jax.numpy as jnp
from jax import lax
from jax.experimental import pallas as pl
from jax.experimental.pallas import tpu as pltpu
from jax.experimental.pallas import tpu_sc as plsc

NUM_DAYS = 732
HIDDEN = 64
BATCH = 4096
HIST_LEN = 200

NC, NS = 2, 16
NW = NC * NS
NHG = HIDDEN // 8
NTQ = NW // NHG
TPW = HIST_LEN // NTQ
NPAIR = TPW // 2
NBCH = BATCH // 16
NROW = HIST_LEN * HIDDEN

_mesh = plsc.VectorSubcoreMesh(core_axis_name="c", subcore_axis_name="s")


@functools.partial(
    pl.kernel,
    mesh=_mesh,
    compiler_params=pltpu.CompilerParams(needs_layout_passes=False),
    out_type=jax.ShapeDtypeStruct((NROW, BATCH), jnp.float32),
    scratch_types=[
        pltpu.VMEM((HIDDEN, NUM_DAYS), jnp.float32),
        pltpu.VMEM((BATCH,), jnp.int32),
        pltpu.VMEM((BATCH,), jnp.int32),
        pltpu.VMEM((8, BATCH), jnp.float32),
        pltpu.VMEM((8, BATCH), jnp.float32),
        pltpu.SemaphoreType.DMA,
        pltpu.SemaphoreType.DMA,
        pltpu.SemaphoreType.DMA,
        pltpu.SemaphoreType.DMA,
    ],
)
def _emb_lookup(idx_hbm, table_hbm, out_hbm, table_v, idx0, idx1,
                rows0, rows1, si0, si1, so0, so1):
    wid = lax.axis_index("s") * NC + lax.axis_index("c")
    h0 = lax.rem(wid, NHG) * 8
    t0 = lax.div(wid, NHG) * TPW

    pltpu.sync_copy(table_hbm, table_v)

    iv = (idx0, idx1)
    rv = (rows0, rows1)
    si = (si0, si1)
    so = (so0, so1)

    def idx_load(j, slot):
        return pltpu.make_async_copy(
            idx_hbm.at[pl.ds((t0 + j) * BATCH, BATCH)], iv[slot], si[slot])

    def store(j, slot):
        return pltpu.make_async_copy(
            rv[slot], out_hbm.at[pl.ds((t0 + j) * HIDDEN + h0, 8)], so[slot])

    hrows = [h0 + jnp.full((16,), hh, jnp.int32) for hh in range(8)]

    def compute(slot):
        @functools.partial(plsc.parallel_loop, 0, NBCH, unroll=8)
        def _(c):
            days = iv[slot][pl.ds(c * 16, 16)]
            for hh in range(8):
                v = plsc.load_gather(table_v, [hrows[hh], days])
                rv[slot][hh, pl.ds(c * 16, 16)] = v

    idx_load(0, 0).start()
    idx_load(1, 1).start()
    idx_load(0, 0).wait()
    compute(0)
    store(0, 0).start()
    idx_load(2, 0).start()
    idx_load(1, 1).wait()
    compute(1)
    store(1, 1).start()

    def pair(p, _):
        j0 = p * 2
        j1 = j0 + 1
        idx_load(j1, 1).start()
        store(j0 - 2, 0).wait()
        idx_load(j0, 0).wait()
        compute(0)
        store(j0, 0).start()
        idx_load(j0 + 2, 0).start()
        store(j1 - 2, 1).wait()
        idx_load(j1, 1).wait()
        compute(1)
        store(j1, 1).start()
        return 0

    lax.fori_loop(1, NPAIR - 1, pair, 0)

    j0 = TPW - 2
    j1 = TPW - 1
    idx_load(j1, 1).start()
    store(j0 - 2, 0).wait()
    idx_load(j0, 0).wait()
    compute(0)
    store(j0, 0).start()
    store(j1 - 2, 1).wait()
    idx_load(j1, 1).wait()
    compute(1)
    store(j1, 1).start()
    store(j0, 0).wait()
    store(j1, 1).wait()


def kernel(days_seqs, emb_weight):
    idx_flat = days_seqs.T.reshape(-1)
    out2d = _emb_lookup(idx_flat, emb_weight.T)
    return out2d.reshape(HIST_LEN, HIDDEN, BATCH).transpose(2, 0, 1)

# --- scband reference (transcript-rebuilt; emitter-appended) ---
"""Pipeline reference for scband-day-embedding-34780645163118 (READ-ONLY COPY).

The authoritative reference and input builder live on the scoring server;
editing this copy changes nothing except your own understanding.
"""

import jax, jax.numpy as jnp
import numpy as np

NUM_DAYS = 732
HIDDEN = 64
BATCH = 4096
HIST_LEN = 200

def setup_inputs(seed: int = 0) -> dict:
    key = jax.random.key(seed)
    k1, k2 = jax.random.split(key)
    days_seqs = jax.random.randint(k1, (BATCH, HIST_LEN), 0, NUM_DAYS, dtype=jnp.int64 if jax.config.jax_enable_x64 else jnp.int32).astype(jnp.int32)
    # nn.Embedding default init: N(0, 1); padding_idx=0 row zeroed
    emb_weight = jax.random.normal(k2, (NUM_DAYS, HIDDEN), dtype=jnp.float32)
    emb_weight = emb_weight.at[0].set(0.0)
    return {"days_seqs": days_seqs, "emb_weight": emb_weight}

def reference(days_seqs, emb_weight):
    # batch['days_seqs'] path of DayEmbedding.forward: self.emb(days)
    return jnp.take(emb_weight, days_seqs, axis=0)

if __name__ == "__main__":
    import jax
    _d = setup_inputs()
    print(jax.jit(kernel)(*tuple(_d.values())))

</pallas_src>

<mosaic_0001>
#map = affine_map<(d0, d1) -> (0)>
#map1 = affine_map<(d0, d1) -> (0, 0)>
module attributes {stable_mosaic.version = 14 : i64} {
  func.func @_emb_lookup(%arg0: i32, %arg1: i32, %arg2: memref<819200xi32, #tpu.memory_space<hbm>>, %arg3: memref<64x732xf32, #tpu.memory_space<hbm>>, %arg4: memref<12800x4096xf32, #tpu.memory_space<hbm>>, %arg5: memref<64x732xf32, #tpu.memory_space<vmem>>, %arg6: memref<4096xi32, #tpu.memory_space<vmem>>, %arg7: memref<4096xi32, #tpu.memory_space<vmem>>, %arg8: memref<8x4096xf32, #tpu.memory_space<vmem>>, %arg9: memref<8x4096xf32, #tpu.memory_space<vmem>>, %arg10: memref<!tpu.dma_semaphore, #tpu.memory_space<semaphore_mem>>, %arg11: memref<!tpu.dma_semaphore, #tpu.memory_space<semaphore_mem>>, %arg12: memref<!tpu.dma_semaphore, #tpu.memory_space<semaphore_mem>>, %arg13: memref<!tpu.dma_semaphore, #tpu.memory_space<semaphore_mem>>) attributes {dimension_semantics = [#tpu.dimension_semantics<core_parallel>, #tpu.dimension_semantics<subcore_parallel>], iteration_bounds = array<i64: 2, 16>, scalar_prefetch = 0 : i64, scratch_operands = 9 : i64, tpu.core_type = #tpu.core_type<sc_vector_subcore>, window_params = [{transform_indices = #map}, {transform_indices = #map1}, {transform_indices = #map1}]} {
    %mul3A = arith.constant 2 : i32
    %mul3A_0 = arith.muli %arg1, %mul3A : i32
    %add3A = arith.addi %mul3A_0, %arg0 : i32
    %rem3A = arith.constant 8 : i32
    %rem3A_1 = arith.remsi %add3A, %rem3A : i32
    %mul3A_2 = arith.constant 8 : i32
    %mul3A_3 = arith.muli %rem3A_1, %mul3A_2 : i32
    %div3A = arith.constant 8 : i32
    %div3A_4 = arith.divsi %add3A, %div3A : i32
    %mul3A_5 = arith.constant 50 : i32
    %mul3A_6 = arith.muli %div3A_4, %mul3A_5 : i32
    "tpu.region"() ({
      %run_scoped3A = tpu.sem_alloc : memref<!tpu.dma_semaphore, #tpu.memory_space<semaphore_mem>>
      tpu.enqueue_dma source(%arg3 : memref<64x732xf32, #tpu.memory_space<hbm>>) target(%arg5 : memref<64x732xf32, #tpu.memory_space<vmem>>) target_semaphore(%run_scoped3A : memref<!tpu.dma_semaphore, #tpu.memory_space<semaphore_mem>>)
      tpu.wait_dma2 semaphore(%run_scoped3A : memref<!tpu.dma_semaphore, #tpu.memory_space<semaphore_mem>>) src(%arg3 : memref<64x732xf32, #tpu.memory_space<hbm>>) dst(%arg5 : memref<64x732xf32, #tpu.memory_space<vmem>>)
      tpu.yield
    }) : () -> ()
    %broadcast_in_dim3A = arith.constant 0 : i32
    %broadcast_in_dim3A_7 = vector.broadcast %broadcast_in_dim3A : i32 to vector<16xi32>
    %add3A_8 = vector.broadcast %mul3A_3 : i32 to vector<16xi32>
    %add3A_9 = arith.addi %add3A_8, %broadcast_in_dim3A_7 : vector<16xi32>
    %broadcast_in_dim3A_10 = arith.constant 1 : i32
    %broadcast_in_dim3A_11 = vector.broadcast %broadcast_in_dim3A_10 : i32 to vector<16xi32>
    %add3A_12 = vector.broadcast %mul3A_3 : i32 to vector<16xi32>
    %add3A_13 = arith.addi %add3A_12, %broadcast_in_dim3A_11 : vector<16xi32>
    %broadcast_in_dim3A_14 = arith.constant 2 : i32
    %broadcast_in_dim3A_15 = vector.broadcast %broadcast_in_dim3A_14 : i32 to vector<16xi32>
    %add3A_16 = vector.broadcast %mul3A_3 : i32 to vector<16xi32>
    %add3A_17 = arith.addi %add3A_16, %broadcast_in_dim3A_15 : vector<16xi32>
    %broadcast_in_dim3A_18 = arith.constant 3 : i32
    %broadcast_in_dim3A_19 = vector.broadcast %broadcast_in_dim3A_18 : i32 to vector<16xi32>
    %add3A_20 = vector.broadcast %mul3A_3 : i32 to vector<16xi32>
    %add3A_21 = arith.addi %add3A_20, %broadcast_in_dim3A_19 : vector<16xi32>
    %broadcast_in_dim3A_22 = arith.constant 4 : i32
    %broadcast_in_dim3A_23 = vector.broadcast %broadcast_in_dim3A_22 : i32 to vector<16xi32>
    %add3A_24 = vector.broadcast %mul3A_3 : i32 to vector<16xi32>
    %add3A_25 = arith.addi %add3A_24, %broadcast_in_dim3A_23 : vector<16xi32>
    %broadcast_in_dim3A_26 = arith.constant 5 : i32
    %broadcast_in_dim3A_27 = vector.broadcast %broadcast_in_dim3A_26 : i32 to vector<16xi32>
    %add3A_28 = vector.broadcast %mul3A_3 : i32 to vector<16xi32>
    %add3A_29 = arith.addi %add3A_28, %broadcast_in_dim3A_27 : vector<16xi32>
    %broadcast_in_dim3A_30 = arith.constant 6 : i32
    %broadcast_in_dim3A_31 = vector.broadcast %broadcast_in_dim3A_30 : i32 to vector<16xi32>
    %add3A_32 = vector.broadcast %mul3A_3 : i32 to vector<16xi32>
    %add3A_33 = arith.addi %add3A_32, %broadcast_in_dim3A_31 : vector<16xi32>
    %broadcast_in_dim3A_34 = arith.constant 7 : i32
    %broadcast_in_dim3A_35 = vector.broadcast %broadcast_in_dim3A_34 : i32 to vector<16xi32>
    %add3A_36 = vector.broadcast %mul3A_3 : i32 to vector<16xi32>
    %add3A_37 = arith.addi %add3A_36, %broadcast_in_dim3A_35 : vector<16xi32>
    %add3A_38 = arith.constant 0 : i32
    %add3A_39 = arith.addi %mul3A_6, %add3A_38 : i32
    %mul3A_40 = arith.constant 4096 : i32
    %mul3A_41 = arith.muli %add3A_39, %mul3A_40 : i32
    %dma_start3A = tpu.memref_slice %arg2[%mul3A_41] : memref<819200xi32, #tpu.memory_space<hbm>> -> memref<4096xi32, #tpu.memory_space<hbm>>
    %dma_start3A_42 = tpu.memref_slice %arg2[%mul3A_41] : memref<819200xi32, #tpu.memory_space<hbm>> -> memref<4096xi32, #tpu.memory_space<hbm>>
    tpu.enqueue_dma source(%dma_start3A_42 : memref<4096xi32, #tpu.memory_space<hbm>>) target(%arg6 : memref<4096xi32, #tpu.memory_space<vmem>>) target_semaphore(%arg10 : memref<!tpu.dma_semaphore, #tpu.memory_space<semaphore_mem>>)
    %add3A_43 = arith.constant 1 : i32
    %add3A_44 = arith.addi %mul3A_6, %add3A_43 : i32
    %mul3A_45 = arith.constant 4096 : i32
    %mul3A_46 = arith.muli %add3A_44, %mul3A_45 : i32
    %dma_start3A_47 = tpu.memref_slice %arg2[%mul3A_46] : memref<819200xi32, #tpu.memory_space<hbm>> -> memref<4096xi32, #tpu.memory_space<hbm>>
    %dma_start3A_48 = tpu.memref_slice %arg2[%mul3A_46] : memref<819200xi32, #tpu.memory_space<hbm>> -> memref<4096xi32, #tpu.memory_space<hbm>>
    tpu.enqueue_dma source(%dma_start3A_48 : memref<4096xi32, #tpu.memory_space<hbm>>) target(%arg7 : memref<4096xi32, #tpu.memory_space<vmem>>) target_semaphore(%arg11 : memref<!tpu.dma_semaphore, #tpu.memory_space<semaphore_mem>>)
    %add3A_49 = arith.constant 0 : i32
    %add3A_50 = arith.addi %mul3A_6, %add3A_49 : i32
    %mul3A_51 = arith.constant 4096 : i32
    %mul3A_52 = arith.muli %add3A_50, %mul3A_51 : i32
    %dma_wait3A = tpu.memref_slice %arg2[%mul3A_52] : memref<819200xi32, #tpu.memory_space<hbm>> -> memref<4096xi32, #tpu.memory_space<hbm>>
    %dma_wait3A_53 = tpu.memref_slice %arg2[%mul3A_52] : memref<819200xi32, #tpu.memory_space<hbm>> -> memref<4096xi32, #tpu.memory_space<hbm>>
    tpu.wait_dma2 semaphore(%arg10 : memref<!tpu.dma_semaphore, #tpu.memory_space<semaphore_mem>>) src(%dma_wait3A_53 : memref<4096xi32, #tpu.memory_space<hbm>>) dst(%arg6 : memref<4096xi32, #tpu.memory_space<vmem>>)
    %add3A_54 = arith.constant 0 : i32
    %add3A_55 = arith.addi %mul3A_6, %add3A_54 : i32
    %mul3A_56 = arith.constant 64 : i32
    %mul3A_57 = arith.muli %add3A_55, %mul3A_56 : i32
    %add3A_58 = arith.addi %mul3A_57, %mul3A_3 : i32
    %dma_start3A_59 = arith.constant 0 : i32
    %dma_start3A_60 = tpu.memref_slice %arg4[%add3A_58, %dma_start3A_59] : memref<12800x4096xf32, #tpu.memory_space<hbm>> -> memref<8x4096xf32, #tpu.memory_space<hbm>>
    %dma_start3A_61 = arith.constant 0 : i32
    %dma_start3A_62 = tpu.memref_slice %arg4[%add3A_58, %dma_start3A_61] : memref<12800x4096xf32, #tpu.memory_space<hbm>> -> memref<8x4096xf32, #tpu.memory_space<hbm>>
    tpu.enqueue_dma source(%arg8 : memref<8x4096xf32, #tpu.memory_space<vmem>>) target(%dma_start3A_62 : memref<8x4096xf32, #tpu.memory_space<hbm>>) target_semaphore(%arg12 : memref<!tpu.dma_semaphore, #tpu.memory_space<semaphore_mem>>)
    %add3A_63 = arith.constant 2 : i32
    %add3A_64 = arith.addi %mul3A_6, %add3A_63 : i32
    %mul3A_65 = arith.constant 4096 : i32
    %mul3A_66 = arith.muli %add3A_64, %mul3A_65 : i32
    %dma_start3A_67 = tpu.memref_slice %arg2[%mul3A_66] : memref<819200xi32, #tpu.memory_space<hbm>> -> memref<4096xi32, #tpu.memory_space<hbm>>
    %dma_start3A_68 = tpu.memref_slice %arg2[%mul3A_66] : memref<819200xi32, #tpu.memory_space<hbm>> -> memref<4096xi32, #tpu.memory_space<hbm>>
    tpu.enqueue_dma source(%dma_start3A_68 : memref<4096xi32, #tpu.memory_space<hbm>>) target(%arg6 : memref<4096xi32, #tpu.memory_space<vmem>>) target_semaphore(%arg10 : memref<!tpu.dma_semaphore, #tpu.memory_space<semaphore_mem>>)
    %add3A_69 = arith.constant 1 : i32
    %add3A_70 = arith.addi %mul3A_6, %add3A_69 : i32
    %mul3A_71 = arith.constant 4096 : i32
    %mul3A_72 = arith.muli %add3A_70, %mul3A_71 : i32
    %dma_wait3A_73 = tpu.memref_slice %arg2[%mul3A_72] : memref<819200xi32, #tpu.memory_space<hbm>> -> memref<4096xi32, #tpu.memory_space<hbm>>
    %dma_wait3A_74 = tpu.memref_slice %arg2[%mul3A_72] : memref<819200xi32, #tpu.memory_space<hbm>> -> memref<4096xi32, #tpu.memory_space<hbm>>
    tpu.wait_dma2 semaphore(%arg11 : memref<!tpu.dma_semaphore, #tpu.memory_space<semaphore_mem>>) src(%dma_wait3A_74 : memref<4096xi32, #tpu.memory_space<hbm>>) dst(%arg7 : memref<4096xi32, #tpu.memory_space<vmem>>)
    %add3A_75 = arith.constant 1 : i32
    %add3A_76 = arith.addi %mul3A_6, %add3A_75 : i32
    %mul3A_77 = arith.constant 64 : i32
    %mul3A_78 = arith.muli %add3A_76, %mul3A_77 : i32
    %add3A_79 = arith.addi %mul3A_78, %mul3A_3 : i32
    %dma_start3A_80 = arith.constant 0 : i32
    %dma_start3A_81 = tpu.memref_slice %arg4[%add3A_79, %dma_start3A_80] : memref<12800x4096xf32, #tpu.memory_space<hbm>> -> memref<8x4096xf32, #tpu.memory_space<hbm>>
    %dma_start3A_82 = arith.constant 0 : i32
    %dma_start3A_83 = tpu.memref_slice %arg4[%add3A_79, %dma_start3A_82] : memref<12800x4096xf32, #tpu.memory_space<hbm>> -> memref<8x4096xf32, #tpu.memory_space<hbm>>
    tpu.enqueue_dma source(%arg9 : memref<8x4096xf32, #tpu.memory_space<vmem>>) target(%dma_start3A_83 : memref<8x4096xf32, #tpu.memory_space<hbm>>) target_semaphore(%arg13 : memref<!tpu.dma_semaphore, #tpu.memory_space<semaphore_mem>>)
    %scan3A = arith.constant 0 : i32
    %scan3A_84 = arith.constant 1 : i32
    %scan3A_85 = arith.constant 23 : i32
    %scan3A_86 = arith.addi %scan3A_84, %scan3A_85 : i32
    %scan3A_87 = arith.constant 1 : i32
    %scan3A_88 = scf.for %scan3A_162 = %scan3A_84 to %scan3A_86 step %scan3A_87 iter_args(%scan3A_163 = %scan3A) -> (i32)  : i32 {
      %mul3A_164 = arith.constant 2 : i32
      %mul3A_165 = arith.muli %scan3A_162, %mul3A_164 : i32
      %add3A_166 = arith.constant 1 : i32
      %add3A_167 = arith.addi %mul3A_165, %add3A_166 : i32
      %add3A_168 = arith.addi %mul3A_6, %add3A_167 : i32
      %mul3A_169 = arith.constant 4096 : i32
      %mul3A_170 = arith.muli %add3A_168, %mul3A_169 : i32
      %dma_start3A_171 = tpu.memref_slice %arg2[%mul3A_170] : memref<819200xi32, #tpu.memory_space<hbm>> -> memref<4096xi32, #tpu.memory_space<hbm>>
      %dma_start3A_172 = tpu.memref_slice %arg2[%mul3A_170] : memref<819200xi32, #tpu.memory_space<hbm>> -> memref<4096xi32, #tpu.memory_space<hbm>>
      tpu.enqueue_dma source(%dma_start3A_172 : memref<4096xi32, #tpu.memory_space<hbm>>) target(%arg7 : memref<4096xi32, #tpu.memory_space<vmem>>) target_semaphore(%arg11 : memref<!tpu.dma_semaphore, #tpu.memory_space<semaphore_mem>>)
      %sub3A = arith.constant 2 : i32
      %sub3A_173 = arith.subi %mul3A_165, %sub3A : i32
      %add3A_174 = arith.addi %mul3A_6, %sub3A_173 : i32
      %mul3A_175 = arith.constant 64 : i32
      %mul3A_176 = arith.muli %add3A_174, %mul3A_175 : i32
      %add3A_177 = arith.addi %mul3A_176, %mul3A_3 : i32
      %dma_wait3A_178 = arith.constant 0 : i32
      %dma_wait3A_179 = tpu.memref_slice %arg4[%add3A_177, %dma_wait3A_178] : memref<12800x4096xf32, #tpu.memory_space<hbm>> -> memref<8x4096xf32, #tpu.memory_space<hbm>>
      %dma_wait3A_180 = arith.constant 0 : i32
      %dma_wait3A_181 = tpu.memref_slice %arg4[%add3A_177, %dma_wait3A_180] : memref<12800x4096xf32, #tpu.memory_space<hbm>> -> memref<8x4096xf32, #tpu.memory_space<hbm>>
      tpu.wait_dma2 semaphore(%arg12 : memref<!tpu.dma_semaphore, #tpu.memory_space<semaphore_mem>>) src(%arg8 : memref<8x4096xf32, #tpu.memory_space<vmem>>) dst(%dma_wait3A_181 : memref<8x4096xf32, #tpu.memory_space<hbm>>)
      %add3A_182 = arith.addi %mul3A_6, %mul3A_165 : i32
      %mul3A_183 = arith.constant 4096 : i32
      %mul3A_184 = arith.muli %add3A_182, %mul3A_183 : i32
      %dma_wait3A_185 = tpu.memref_slice %arg2[%mul3A_184] : memref<819200xi32, #tpu.memory_space<hbm>> -> memref<4096xi32, #tpu.memory_space<hbm>>
      %dma_wait3A_186 = tpu.memref_slice %arg2[%mul3A_184] : memref<819200xi32, #tpu.memory_space<hbm>> -> memref<4096xi32, #tpu.memory_space<hbm>>
      tpu.wait_dma2 semaphore(%arg10 : memref<!tpu.dma_semaphore, #tpu.memory_space<semaphore_mem>>) src(%dma_wait3A_186 : memref<4096xi32, #tpu.memory_space<hbm>>) dst(%arg6 : memref<4096xi32, #tpu.memory_space<vmem>>)
      %add3A_187 = arith.addi %mul3A_6, %mul3A_165 : i32
      %mul3A_188 = arith.constant 64 : i32
      %mul3A_189 = arith.muli %add3A_187, %mul3A_188 : i32
      %add3A_190 = arith.addi %mul3A_189, %mul3A_3 : i32
      %dma_start3A_191 = arith.constant 0 : i32
      %dma_start3A_192 = tpu.memref_slice %arg4[%add3A_190, %dma_start3A_191] : memref<12800x4096xf32, #tpu.memory_space<hbm>> -> memref<8x4096xf32, #tpu.memory_space<hbm>>
      %dma_start3A_193 = arith.constant 0 : i32
      %dma_start3A_194 = tpu.memref_slice %arg4[%add3A_190, %dma_start3A_193] : memref<12800x4096xf32, #tpu.memory_space<hbm>> -> memref<8x4096xf32, #tpu.memory_space<hbm>>
      tpu.enqueue_dma source(%arg8 : memref<8x4096xf32, #tpu.memory_space<vmem>>) target(%dma_start3A_194 : memref<8x4096xf32, #tpu.memory_space<hbm>>) target_semaphore(%arg12 : memref<!tpu.dma_semaphore, #tpu.memory_space<semaphore_mem>>)
      %add3A_195 = arith.constant 2 : i32
      %add3A_196 = arith.addi %mul3A_165, %add3A_195 : i32
      %add3A_197 = arith.addi %mul3A_6, %add3A_196 : i32
      %mul3A_198 = arith.constant 4096 : i32
      %mul3A_199 = arith.muli %add3A_197, %mul3A_198 : i32
      %dma_start3A_200 = tpu.memref_slice %arg2[%mul3A_199] : memref<819200xi32, #tpu.memory_space<hbm>> -> memref<4096xi32, #tpu.memory_space<hbm>>
      %dma_start3A_201 = tpu.memref_slice %arg2[%mul3A_199] : memref<819200xi32, #tpu.memory_space<hbm>> -> memref<4096xi32, #tpu.memory_space<hbm>>
      tpu.enqueue_dma source(%dma_start3A_201 : memref<4096xi32, #tpu.memory_space<hbm>>) target(%arg6 : memref<4096xi32, #tpu.memory_space<vmem>>) target_semaphore(%arg10 : memref<!tpu.dma_semaphore, #tpu.memory_space<semaphore_mem>>)
      %sub3A_202 = arith.constant 2 : i32
      %sub3A_203 = arith.subi %add3A_167, %sub3A_202 : i32
      %add3A_204 = arith.addi %mul3A_6, %sub3A_203 : i32
      %mul3A_205 = arith.constant 64 : i32
      %mul3A_206 = arith.muli %add3A_204, %mul3A_205 : i32
      %add3A_207 = arith.addi %mul3A_206, %mul3A_3 : i32
      %dma_wait3A_208 = arith.constant 0 : i32
      %dma_wait3A_209 = tpu.memref_slice %arg4[%add3A_207, %dma_wait3A_208] : memref<12800x4096xf32, #tpu.memory_space<hbm>> -> memref<8x4096xf32, #tpu.memory_space<hbm>>
      %dma_wait3A_210 = arith.constant 0 : i32
      %dma_wait3A_211 = tpu.memref_slice %arg4[%add3A_207, %dma_wait3A_210] : memref<12800x4096xf32, #tpu.memory_space<hbm>> -> memref<8x4096xf32, #tpu.memory_space<hbm>>
      tpu.wait_dma2 semaphore(%arg13 : memref<!tpu.dma_semaphore, #tpu.memory_space<semaphore_mem>>) src(%arg9 : memref<8x4096xf32, #tpu.memory_space<vmem>>) dst(%dma_wait3A_211 : memref<8x4096xf32, #tpu.memory_space<hbm>>)
      %add3A_212 = arith.addi %mul3A_6, %add3A_167 : i32
      %mul3A_213 = arith.constant 4096 : i32
      %mul3A_214 = arith.muli %add3A_212, %mul3A_213 : i32
      %dma_wait3A_215 = tpu.memref_slice %arg2[%mul3A_214] : memref<819200xi32, #tpu.memory_space<hbm>> -> memref<4096xi32, #tpu.memory_space<hbm>>
      %dma_wait3A_216 = tpu.memref_slice %arg2[%mul3A_214] : memref<819200xi32, #tpu.memory_space<hbm>> -> memref<4096xi32, #tpu.memory_space<hbm>>
      tpu.wait_dma2 semaphore(%arg11 : memref<!tpu.dma_semaphore, #tpu.memory_space<semaphore_mem>>) src(%dma_wait3A_216 : memref<4096xi32, #tpu.memory_space<hbm>>) dst(%arg7 : memref<4096xi32, #tpu.memory_space<vmem>>)
      %add3A_217 = arith.addi %mul3A_6, %add3A_167 : i32
      %mul3A_218 = arith.constant 64 : i32
      %mul3A_219 = arith.muli %add3A_217, %mul3A_218 : i32
      %add3A_220 = arith.addi %mul3A_219, %mul3A_3 : i32
      %dma_start3A_221 = arith.constant 0 : i32
      %dma_start3A_222 = tpu.memref_slice %arg4[%add3A_220, %dma_start3A_221] : memref<12800x4096xf32, #tpu.memory_space<hbm>> -> memref<8x4096xf32, #tpu.memory_space<hbm>>
      %dma_start3A_223 = arith.constant 0 : i32
      %dma_start3A_224 = tpu.memref_slice %arg4[%add3A_220, %dma_start3A_223] : memref<12800x4096xf32, #tpu.memory_space<hbm>> -> memref<8x4096xf32, #tpu.memory_space<hbm>>
      tpu.enqueue_dma source(%arg9 : memref<8x4096xf32, #tpu.memory_space<vmem>>) target(%dma_start3A_224 : memref<8x4096xf32, #tpu.memory_space<hbm>>) target_semaphore(%arg13 : memref<!tpu.dma_semaphore, #tpu.memory_space<semaphore_mem>>)
      %scan3A_225 = arith.constant 0 : i32
      scf.yield %scan3A_225 : i32
    }
    %scan3A_89 = arith.constant 23 : i32
    %add3A_90 = arith.constant 49 : i32
    %add3A_91 = arith.addi %mul3A_6, %add3A_90 : i32
    %mul3A_92 = arith.constant 4096 : i32
    %mul3A_93 = arith.muli %add3A_91, %mul3A_92 : i32
    %dma_start3A_94 = tpu.memref_slice %arg2[%mul3A_93] : memref<819200xi32, #tpu.memory_space<hbm>> -> memref<4096xi32, #tpu.memory_space<hbm>>
    %dma_start3A_95 = tpu.memref_slice %arg2[%mul3A_93] : memref<819200xi32, #tpu.memory_space<hbm>> -> memref<4096xi32, #tpu.memory_space<hbm>>
    tpu.enqueue_dma source(%dma_start3A_95 : memref<4096xi32, #tpu.memory_space<hbm>>) target(%arg7 : memref<4096xi32, #tpu.memory_space<vmem>>) target_semaphore(%arg11 : memref<!tpu.dma_semaphore, #tpu.memory_space<semaphore_mem>>)
    %add3A_96 = arith.constant 46 : i32
    %add3A_97 = arith.addi %mul3A_6, %add3A_96 : i32
    %mul3A_98 = arith.constant 64 : i32
    %mul3A_99 = arith.muli %add3A_97, %mul3A_98 : i32
    %add3A_100 = arith.addi %mul3A_99, %mul3A_3 : i32
    %dma_wait3A_101 = arith.constant 0 : i32
    %dma_wait3A_102 = tpu.memref_slice %arg4[%add3A_100, %dma_wait3A_101] : memref<12800x4096xf32, #tpu.memory_space<hbm>> -> memref<8x4096xf32, #tpu.memory_space<hbm>>
    %dma_wait3A_103 = arith.constant 0 : i32
    %dma_wait3A_104 = tpu.memref_slice %arg4[%add3A_100, %dma_wait3A_103] : memref<12800x4096xf32, #tpu.memory_space<hbm>> -> memref<8x4096xf32, #tpu.memory_space<hbm>>
    tpu.wait_dma2 semaphore(%arg12 : memref<!tpu.dma_semaphore, #tpu.memory_space<semaphore_mem>>) src(%arg8 : memref<8x4096xf32, #tpu.memory_space<vmem>>) dst(%dma_wait3A_104 : memref<8x4096xf32, #tpu.memory_space<hbm>>)
    %add3A_105 = arith.constant 48 : i32
    %add3A_106 = arith.addi %mul3A_6, %add3A_105 : i32
    %mul3A_107 = arith.constant 4096 : i32
    %mul3A_108 = arith.muli %add3A_106, %mul3A_107 : i32
    %dma_wait3A_109 = tpu.memref_slice %arg2[%mul3A_108] : memref<819200xi32, #tpu.memory_space<hbm>> -> memref<4096xi32, #tpu.memory_space<hbm>>
    %dma_wait3A_110 = tpu.memref_slice %arg2[%mul3A_108] : memref<819200xi32, #tpu.memory_space<hbm>> -> memref<4096xi32, #tpu.memory_space<hbm>>
    tpu.wait_dma2 semaphore(%arg10 : memref<!tpu.dma_semaphore, #tpu.memory_space<semaphore_mem>>) src(%dma_wait3A_110 : memref<4096xi32, #tpu.memory_space<hbm>>) dst(%arg6 : memref<4096xi32, #tpu.memory_space<vmem>>)
    %add3A_111 = arith.constant 48 : i32
    %add3A_112 = arith.addi %mul3A_6, %add3A_111 : i32
    %mul3A_113 = arith.constant 64 : i32
    %mul3A_114 = arith.muli %add3A_112, %mul3A_113 : i32
    %add3A_115 = arith.addi %mul3A_114, %mul3A_3 : i32
    %dma_start3A_116 = arith.constant 0 : i32
    %dma_start3A_117 = tpu.memref_slice %arg4[%add3A_115, %dma_start3A_116] : memref<12800x4096xf32, #tpu.memory_space<hbm>> -> memref<8x4096xf32, #tpu.memory_space<hbm>>
    %dma_start3A_118 = arith.constant 0 : i32
    %dma_start3A_119 = tpu.memref_slice %arg4[%add3A_115, %dma_start3A_118] : memref<12800x4096xf32, #tpu.memory_space<hbm>> -> memref<8x4096xf32, #tpu.memory_space<hbm>>
    tpu.enqueue_dma source(%arg8 : memref<8x4096xf32, #tpu.memory_space<vmem>>) target(%dma_start3A_119 : memref<8x4096xf32, #tpu.memory_space<hbm>>) target_semaphore(%arg12 : memref<!tpu.dma_semaphore, #tpu.memory_space<semaphore_mem>>)
    %add3A_120 = arith.constant 47 : i32
    %add3A_121 = arith.addi %mul3A_6, %add3A_120 : i32
    %mul3A_122 = arith.constant 64 : i32
    %mul3A_123 = arith.muli %add3A_121, %mul3A_122 : i32
    %add3A_124 = arith.addi %mul3A_123, %mul3A_3 : i32
    %dma_wait3A_125 = arith.constant 0 : i32
    %dma_wait3A_126 = tpu.memref_slice %arg4[%add3A_124, %dma_wait3A_125] : memref<12800x4096xf32, #tpu.memory_space<hbm>> -> memref<8x4096xf32, #tpu.memory_space<hbm>>
    %dma_wait3A_127 = arith.constant 0 : i32
    %dma_wait3A_128 = tpu.memref_slice %arg4[%add3A_124, %dma_wait3A_127] : memref<12800x4096xf32, #tpu.memory_space<hbm>> -> memref<8x4096xf32, #tpu.memory_space<hbm>>
    tpu.wait_dma2 semaphore(%arg13 : memref<!tpu.dma_semaphore, #tpu.memory_space<semaphore_mem>>) src(%arg9 : memref<8x4096xf32, #tpu.memory_space<vmem>>) dst(%dma_wait3A_128 : memref<8x4096xf32, #tpu.memory_space<hbm>>)
    %add3A_129 = arith.constant 49 : i32
    %add3A_130 = arith.addi %mul3A_6, %add3A_129 : i32
    %mul3A_131 = arith.constant 4096 : i32
    %mul3A_132 = arith.muli %add3A_130, %mul3A_131 : i32
    %dma_wait3A_133 = tpu.memref_slice %arg2[%mul3A_132] : memref<819200xi32, #tpu.memory_space<hbm>> -> memref<4096xi32, #tpu.memory_space<hbm>>
    %dma_wait3A_134 = tpu.memref_slice %arg2[%mul3A_132] : memref<819200xi32, #tpu.memory_space<hbm>> -> memref<4096xi32, #tpu.memory_space<hbm>>
    tpu.wait_dma2 semaphore(%arg11 : memref<!tpu.dma_semaphore, #tpu.memory_space<semaphore_mem>>) src(%dma_wait3A_134 : memref<4096xi32, #tpu.memory_space<hbm>>) dst(%arg7 : memref<4096xi32, #tpu.memory_space<vmem>>)
    %add3A_135 = arith.constant 49 : i32
    %add3A_136 = arith.addi %mul3A_6, %add3A_135 : i32
    %mul3A_137 = arith.constant 64 : i32
    %mul3A_138 = arith.muli %add3A_136, %mul3A_137 : i32
    %add3A_139 = arith.addi %mul3A_138, %mul3A_3 : i32
    %dma_start3A_140 = arith.constant 0 : i32
    %dma_start3A_141 = tpu.memref_slice %arg4[%add3A_139, %dma_start3A_140] : memref<12800x4096xf32, #tpu.memory_space<hbm>> -> memref<8x4096xf32, #tpu.memory_space<hbm>>
    %dma_start3A_142 = arith.constant 0 : i32
    %dma_start3A_143 = tpu.memref_slice %arg4[%add3A_139, %dma_start3A_142] : memref<12800x4096xf32, #tpu.memory_space<hbm>> -> memref<8x4096xf32, #tpu.memory_space<hbm>>
    tpu.enqueue_dma source(%arg9 : memref<8x4096xf32, #tpu.memory_space<vmem>>) target(%dma_start3A_143 : memref<8x4096xf32, #tpu.memory_space<hbm>>) target_semaphore(%arg13 : memref<!tpu.dma_semaphore, #tpu.memory_space<semaphore_mem>>)
    %add3A_144 = arith.constant 48 : i32
    %add3A_145 = arith.addi %mul3A_6, %add3A_144 : i32
    %mul3A_146 = arith.constant 64 : i32
    %mul3A_147 = arith.muli %add3A_145, %mul3A_146 : i32
    %add3A_148 = arith.addi %mul3A_147, %mul3A_3 : i32
    %dma_wait3A_149 = arith.constant 0 : i32
    %dma_wait3A_150 = tpu.memref_slice %arg4[%add3A_148, %dma_wait3A_149] : memref<12800x4096xf32, #tpu.memory_space<hbm>> -> memref<8x4096xf32, #tpu.memory_space<hbm>>
    %dma_wait3A_151 = arith.constant 0 : i32
    %dma_wait3A_152 = tpu.memref_slice %arg4[%add3A_148, %dma_wait3A_151] : memref<12800x4096xf32, #tpu.memory_space<hbm>> -> memref<8x4096xf32, #tpu.memory_space<hbm>>
    tpu.wait_dma2 semaphore(%arg12 : memref<!tpu.dma_semaphore, #tpu.memory_space<semaphore_mem>>) src(%arg8 : memref<8x4096xf32, #tpu.memory_space<vmem>>) dst(%dma_wait3A_152 : memref<8x4096xf32, #tpu.memory_space<hbm>>)
    %add3A_153 = arith.constant 49 : i32
    %add3A_154 = arith.addi %mul3A_6, %add3A_153 : i32
    %mul3A_155 = arith.constant 64 : i32
    %mul3A_156 = arith.muli %add3A_154, %mul3A_155 : i32
    %add3A_157 = arith.addi %mul3A_156, %mul3A_3 : i32
    %dma_wait3A_158 = arith.constant 0 : i32
    %dma_wait3A_159 = tpu.memref_slice %arg4[%add3A_157, %dma_wait3A_158] : memref<12800x4096xf32, #tpu.memory_space<hbm>> -> memref<8x4096xf32, #tpu.memory_space<hbm>>
    %dma_wait3A_160 = arith.constant 0 : i32
    %dma_wait3A_161 = tpu.memref_slice %arg4[%add3A_157, %dma_wait3A_160] : memref<12800x4096xf32, #tpu.memory_space<hbm>> -> memref<8x4096xf32, #tpu.memory_space<hbm>>
    tpu.wait_dma2 semaphore(%arg13 : memref<!tpu.dma_semaphore, #tpu.memory_space<semaphore_mem>>) src(%arg9 : memref<8x4096xf32, #tpu.memory_space<vmem>>) dst(%dma_wait3A_161 : memref<8x4096xf32, #tpu.memory_space<hbm>>)
    return
  }
}

</mosaic_0001>

<sc_bundles>
// kernel: kernel.3.cloned.1.call-start
scs
__scs_entry_jumppad:
0x0: {  	(pc) =	sbr.rel $0x88, $3  }
0x1: {  	(tag) =	ssettag $0x0;
	lr =	simm.s32 $0x1  }
0x2: {  	[smem:$0x3F9F] =	sst lr;
	_ =	strace $0xD0000000  }
0x3: {  	_ = 	snop  }
0x4: {  	_ = 	snop  }
0x5: {  	_ = 	snop  }
0x6: {  	_ = 	snop  }
0x7: {  	_ = 	snop  }
__scs_overlays_trampoline_lowered:
0x8: {  	[smem:$0x3FAE] =	sst s0  }
0x9: {  	[smem:$0x3FAF] =	sst s1  }
0xa: {  	[smem:$0x3FB0] =	sst s2  }
0xb: {  	[smem:$0x3FB1] =	sst s3  }
0xc: {  	[smem:$0x3FB2] =	sst s4  }
0xd: {  	[smem:$0x3FB3] =	sst s5  }
0xe: {  	[smem:$0x3FB4] =	sst s6  }
0xf: {  	[smem:$0x3FB5] =	sst s7  }
0x10: {  	[smem:$0x3FB6] =	sst s8  }
0x11: {  	[smem:$0x3FB7] =	sst s9;
	s0 =	simm.s32 @!p0 $0x0  }
0x12: {  	s1 =	sld [smem:$0x3F9D];
	s0 =	simm.s32 @p0 $0x1  }
0x13: {  	[smem:$0x3FB8] =	sst s0;
	s0 =	simm.s32 @!p1 $0x0  }
0x14: {  	s2 =	sld [smem:$0x3F9C];
	s0 =	simm.s32 @p1 $0x1  }
0x15: {  	[smem:$0x3FB9] =	sst s0;
	s0 =	simm.s32 @!p2 $0x0  }
0x16: {  	s3 =	sld [smem:$0x3FDB];
	s0 =	simm.s32 @p2 $0x1  }
0x17: {  	s4 =	simm.s32 $0x1BF5;
	[smem:$0x3FBB] =	sst s0  }
0x18: {  	s0 =	sld [smem:$0x3F9E];
	_ =	swait.ge [sflag:s4], $0x0  }
0x19: {  	s7 =	sld [smem:$0x3F9F]  }
0x1a: {  	s8 =	sadd.s32 $0xFFFFE003, lr  }
0x1b: {  	s9 =	sadd.s32 $0xFFFFFEF7, lr;
	s5 =	simm.s32 $0xFFFFFFFF;
	p2 =	slt.u32 s8, $0xFFFFF086  }
0x1c: {  	p1 =	slt.u32 s9, $0xF7A;
	s5 =	simm.s32 @!p2 $0x0  }
0x1d: {  	s5 =	simm.s32 @p1 $0x1;
	p0 =	seq.s32 s7, s2  }
0x1e: {  	s7 =	smul.u32 @!p0 $0xF7A, s2;
	p2 =	seq.s32 @!p0 s5, $0x0  }
0x1f: {  	s9 =	smul.u32 $0xF7A, s1;
	s8 =	simm.s32 @!p0 $0x1BF5;
	p2 =	por !p2, p0  }
0x20: {  	[sflag:s8] =	ssyncset.s32 @!p0 $0xFFFFF086;
	s6 =	sadd.s32 @!p0 s3, s7;
	s7 =	simm.s32 @!p0 $0x108  }
0x21: {  	s3 =	sadd.s32 s3, s9;
	s6 =	sadd.s32 @!p0 $0x88, s6;
	s7 =	simm.s32 @p2 $0x1082  }
0x22: {  	[simem:s7], [sflag:s8] =	dma.local @!p0 [hbm:s6], $0xF7A  }
0x23: {  	s9 =	sor.u32 $0xD0000000, s2;
	s6 =	simm.s32 $0x108;
	_ =	swait.ge @!p0 [sflag:s8], $0x0  }
0x24: {  	s3 =	sadd.s32 $0x88, s3;
	s6 =	simm.s32 @!p1 $0x1082;
	[sflag:s4] =	ssyncset.s32 $0xFFFFF086  }
0x25: {  	[simem:s6], [sflag:s4] =	dma.local [hbm:s3], $0xF7A  }
0x26: {  	[smem:$0x3F9F] =	sst s1;
	(tag) =	ssettag s2;
	_ =	strace s9  }
0x27: {  	s1 =	sld [smem:$0x3FAF]  }
0x28: {  	s2 =	sld [smem:$0x3FB0]  }
0x29: {  	s4 =	sld [smem:$0x3FB2]  }
0x2a: {  	p0 =	seq.s32 s5, $0x0;
	s5 =	sld [smem:$0x3FB3]  }
0x2b: {  	s6 =	sld [smem:$0x3FB4]  }
0x2c: {  	s7 =	sld [smem:$0x3FB5]  }
0x2d: {  	s3 =	simm.s32 $0x108;
	s8 =	sld [smem:$0x3FB6]  }
0x2e: {  	s3 =	simm.s32 @!p0 $0x1082;
	s9 =	sld [smem:$0x3FB7]  }
0x2f: {  	lr =	sadd.s32 s0, s3;
	s0 =	sld [smem:$0x3FAE]  }
0x30: {  	s3 =	sld [smem:$0x3FB1]  }
0x31: {  	[smem:$0x3FBA] =	sst s10  }
0x32: {  	s10 =	sld [smem:$0x3FB8];
	_ =	sdelay $0x3  }
0x33: {  	p0 =	seq.s32 s10, $0x1;
	s10 =	sld [smem:$0x3FBA];
	_ =	sdelay $0x3  }
0x34: {  	[smem:$0x3FBA] =	sst s10  }
0x35: {  	s10 =	sld [smem:$0x3FB9];
	_ =	sdelay $0x3  }
0x36: {  	p1 =	seq.s32 s10, $0x1;
	s10 =	sld [smem:$0x3FBA];
	_ =	sdelay $0x3  }
0x37: {  	[smem:$0x3FBA] =	sst s10  }
0x38: {  	s10 =	sld [smem:$0x3FBB]  }
0x39: {  	_ = 	snop;
	(pc) =	sbr.ind lr, $3  }
0x3a: {  	_ = 	snop  }
0x3b: {  	_ = 	snop  }
0x3c: {  	p2 =	seq.s32 s10, $0x1;
	s10 =	sld [smem:$0x3FBA]  }
0x3d: {  	_ =	shalt  }
0x3e: {  	_ =	shalt  }
0x3f: {  	_ =	shalt  }
0x40: {  	_ =	shalt  }
0x41: {  	_ =	shalt  }
0x42: {  	_ =	shalt  }
0x43: {  	_ =	shalt  }
0x44: {  	_ =	shalt  }
0x45: {  	_ =	shalt  }
0x46: {  	_ =	shalt  }
0x47: {  	_ =	shalt  }
0x48: {  	_ =	shalt  }
0x49: {  	_ =	shalt  }
0x4a: {  	_ =	shalt  }
0x4b: {  	_ =	shalt  }
0x4c: {  	_ =	shalt  }
0x4d: {  	_ =	shalt  }
0x4e: {  	_ =	shalt  }
0x4f: {  	_ =	shalt  }
0x50: {  	_ =	shalt  }
0x51: {  	_ =	shalt  }
0x52: {  	_ =	shalt  }
0x53: {  	_ =	shalt  }
0x54: {  	_ =	shalt  }
0x55: {  	_ =	shalt  }
0x56: {  	_ =	shalt  }
0x57: {  	_ =	shalt  }
0x58: {  	_ =	shalt  }
0x59: {  	_ =	shalt  }
0x5a: {  	_ =	shalt  }
0x5b: {  	_ =	shalt  }
0x5c: {  	_ =	shalt  }
0x5d: {  	_ =	shalt  }
0x5e: {  	_ =	shalt  }
0x5f: {  	_ =	shalt  }
0x60: {  	_ =	shalt  }
0x61: {  	_ =	shalt  }
0x62: {  	_ =	shalt  }
0x63: {  	_ =	shalt  }
0x64: {  	_ =	shalt  }
0x65: {  	_ =	shalt  }
0x66: {  	_ =	shalt  }
0x67: {  	_ =	shalt  }
0x68: {  	_ =	shalt  }
0x69: {  	_ =	shalt  }
0x6a: {  	_ =	shalt  }
0x6b: {  	_ =	shalt  }
0x6c: {  	_ =	shalt  }
0x6d: {  	_ =	shalt  }
0x6e: {  	_ =	shalt  }
0x6f: {  	_ =	shalt  }
0x70: {  	_ =	shalt  }
0x71: {  	_ =	shalt  }
0x72: {  	_ =	shalt  }
0x73: {  	_ =	shalt  }
0x74: {  	_ =	shalt  }
0x75: {  	_ =	shalt  }
0x76: {  	_ =	shalt  }
0x77: {  	_ =	shalt  }
0x78: {  	_ =	shalt  }
0x79: {  	_ =	shalt  }
0x7a: {  	_ =	shalt  }
0x7b: {  	_ =	shalt  }
0x7c: {  	_ =	shalt  }
0x7d: {  	_ =	shalt  }
0x7e: {  	_ =	shalt  }
0x7f: {  	_ =	shalt  }
0x80: {  	_ =	shalt  }
0x81: {  	_ =	shalt  }
0x82: {  	_ =	shalt  }
0x83: {  	_ =	shalt  }
0x84: {  	_ =	shalt  }
0x85: {  	_ =	shalt  }
0x86: {  	_ =	shalt  }
0x87: {  	_ =	shalt  }
.Lfunc_end0:
.L_simem_size_0:
called_computation_lowered:
.L_overlay_start_0:
0x88: {  	s2 =	sld [smem:$0x3FD9]  }
0x89: {  	s3 =	sld [smem:$0x3FFE];
	_ =	sdelay $0x1  }
0x8a: {  	s1 =	srdreg.scid  }
0x8b: {  	s0 =	sand.u32 $0x1, s1  }
0x8c: {  	s17 =	sshll.u32 s0, $0xA;
	s2 =	sadd.s32 s3, s2  }
0x8d: {  	s2 =	sadd.s32 s2, s17  }
0x8e: {  	[smem:$0x3FC6] =	sst s2  }
0x8f: {  	_ = 	snop  }
0x90: {  	s2 =	sld [smem:$0x3FC8]  }
0x91: {  	s18 =	sld [smem:$0x3FD0];
	(tm) =	ssettm $0x1  }
0x92: {  	s4 =	sld [smem:$0x3FFB];
	_ =	sdelay $0x3  }
0x93: {  	_ =	strace s4  }
0x94: {  	s4 =	sld [smem:$0x3FFC];
	_ =	sdelay $0x3  }
0x95: {  	_ =	strace s4  }
0x96: {  	s4 =	sld [smem:$0x3FFD];
	_ =	sdelay $0x3  }
0x97: {  	_ =	strace s4  }
0x98: {  	_ =	strace $0x8FFFFFFF  }
0x99: {  	s19 =	sld [smem:$0x3FDB];
	_ =	sdelay $0x1  }
0x9a: {  	s5 =	simm.s32 $_scs_section_size  }
0x9b: {  	s6 =	simm.s32 $_size__tile_overlayer_lowered;
	s7 =	simm.s32 $_tile_overlayer_lowered  }
0x9c: {  	s22 =	simm.s32 $0x1BFF;
	s21 =	sshll.u32 s7, $0x1;
	s4 =	sadd.s32 s5, s19  }
0x9d: {  	s8 =	simm.s32 $0x0;
	s20 =	sshll.u32 s6, $0x1;
	s6 =	sadd.s32 s21, s4  }
0x9e: {  	[timem:s8], [sflag:s22] =	dma.local [hbm:s6], s20  }
0x9f: {  	_ =	swait.ge [sflag:s22], s20  }
0xa0: {  	s5 =	ssub.s32 $0x0, s20;
	[sflag:s22] =	ssyncset.done $0x0  }
0xa1: {  	[sflag:s22] =	ssyncadd.s32 s5;
	_ =	sdelay $0x1  }
0xa2: {  	s23 =	simm.s32 $0x1B8B  }
0xa3: {  	_ =	swait.ge [sflag:s23], $0x1  }
0xa4: {  	[sflag:s23] =	ssyncset.done $0x0  }
0xa5: {  	s25 =	simm.s32 $0x1B8E;
	s24 =	sld [smem:$0x3FFE];
	[sflag:s23] =	ssyncadd.s32 $0xFFFFFFFF  }
0xa6: {  	s26 =	simm.s32 $execute0_lowered;
	[smem:$0x3FD2] =	sst s25  }
0xa7: {  	s6 =	sshll.u32 s26, $0x1;
	_ =	strace $0x80000046;
	[dreg:$0x1] =	wrdreg $0xFFFFFFFF  }
0xa8: {  	s28 =	simm.s32 $_size_execute0_lowered;
	s4 =	sadd.s32 s4, s6;
	[dreg:$0x0] =	wrdreg $0x0  }
0xa9: {  	s6 =	sshll.u32 s28, $0x1;
	[dreg:$0x2] =	wrdreg s4  }
0xaa: {  	[dreg:$0x3] =	wrdreg s6  }
0xab: {  	[dreg:$0x4] =	wrdreg $0xC0  }
0xac: {  	_ =	task [dreg:s8], $0x5FFFF  }
0xad: {  	[dreg:$0x1] =	wrdreg $0xFFFFFFFF  }
0xae: {  	[dreg:$0x0] =	wrdreg $0x60  }
0xaf: {  	[dreg:$0x2] =	wrdreg s24  }
0xb0: {  	[dreg:$0x3] =	wrdreg s2  }
0xb1: {  	[dreg:$0x4] =	wrdreg s18  }
0xb2: {  	[dreg:$0x5] =	wrdreg $0x9  }
0xb3: {  	_ =	task.clear_ibuf [dreg:s8], $0x6FFFF;
	_ =	strace $0x90000046  }
0xb4: {  	s29 =	simm.s32 $0x9;
	_ =	strace $0x80000048  }
0xb5: {  	_ =	swait.ge [sflag:s29], $0x1  }
0xb6: {  	[sflag:s29] =	ssyncadd.s32 $0xFFFFFFFF  }
0xb7: {  	_ =	strace $0x90000048  }
0xb8: {  	_ =	sfence  }
0xb9: {  	s30 =	sld [smem:$0x0];
	_ =	sdelay $0x2  }
0xba: {  	s31 =	sshll.u32 s1, $0xD;
	s1 =	sshrl.u32 s1, $0x2  }
0xbb: {  	s3 =	sand.u32 $0x4000, s31;
	s1 =	sadd.s32 s1, s30  }
0xbc: {  	s0 =	sor.u32 s3, s0;
	s1 =	sshll.u32 s1, $0x11  }
0xbd: {  	s0 =	sor.u32 s1, s0  }
0xbe: {  	s0 =	sadd.s32 $0x8F2B, s0  }
0xbf: {  	[sflag:s0] =	ssyncadd.remote.s32 $0x1  }
0xc0: {  	_ =	sfence.sel $0xFFFF  }
0xc1: {  	[dreg:$0x0] =	wrdreg $0xFFFFFFFF;
	(pc) =	sbr.abs _section_cstart, $3  }
0xc2: {  	[dreg:$0x1] =	wrdreg $0xFFFFFFFF  }
0xc3: {  	_ =	task.clear_ibuf [dreg:s8], $0x2FFFF;
	_ =	strace $0x9FFFFFFF  }
0xc4: {  	(tm) =	ssettm $0x7FFFFFFF  }
0xc5: {  	_ =	shalt  }
tec
execute0_lowered:
.L_overlay_start_1:
0x0: {  	(tag) =	ssettag $0x1  }
0x1: {  	s4 =	rddreg [dreg:$0x0]  }
0x2: {  	s1 =	rddreg [dreg:$0x1]  }
0x3: {  	s11 =	rddreg [dreg:$0x2]  }
0x4: {  	s0 =	rddreg [dreg:$0x3];
	s3 =	simm.s32 $0x0;
	s5 =	srdreg.scid  }
0x5: {  	s2 =	stileid.u32;
	[smem:$0x7FF] =	sst s3;
	s9 =	sadd.s32 $0x400, s4  }
0x6: {  	s10 =	sand.u32 $0x1, s5;
	s6 =	sshrl.u32 s2, $0x2;
	s17 =	sshll.u32 s2, $0x1  }
0x7: {  	s28 =	sand.u32 $0x3, s2;
	_ =	strace $0x80000047;
	s7 =	smul.u32 $0x32, s6  }
0x8: {  	s16 =	ssub.s32 $0x2, s10;
	s5 =	sand.u32 $0x6, s17;
	s12 =	smul.u32 $0x6400, s6  }
0x9: {  	s20 =	smul.u32 $0x190000, s6;
	s29 =	sshll.u32 s28, $0xD;
	s30 =	sshll.u32 s10, $0xC  }
0xa: {  	s17 =	simm.s32 $0x1;
	s8 =	sshrl.u32 s16, $0x1;
	s18 =	sor.u32 s10, s5  }
0xb: {  	s13 =	ssub.s32 s16, s8;
	s14 =	sor.u32 $0x1, s7;
	s4 =	sadd.s32 s9, s12  }
0xc: {  	s15 =	sshll.u32 s18, $0xC;
	s16 =	smul.u32 $0x32000, s6;
	s22 =	sshll.u32 s18, $0xF  }
0xd: {  	s24 =	sadd.s32 $0x31, s7;
	s12 =	sadd.s32 s20, s11;
	s18 =	simm.s32 $0xE000  }
0xe: {  	s19 =	sshll.u32 s14, $0x9;
	s21 =	sor.u32 s20, s15;
	s14 =	sshll.u32 s14, $0x12  }
0xf: {  	s25 =	sshll.u32 s24, $0x9;
	s26 =	sshll.u32 s24, $0x12;
	s12 =	sadd.s32 s29, s12  }
0x10: {  	s15 =	simm.s32 $0xC000;
	s20 =	simm.s32 $0x16000;
	s5 =	sadd.s32 s9, s19  }
0x11: {  	s6 =	sadd.s32 s11, s21;
	s23 =	sshrl.u32 s16, $0x3;
	s14 =	sor.u32 s22, s14  }
0x12: {  	s31 =	sadd.s32 s30, s12;
	s12 =	smax.u32 s13, $0x1;
	s16 =	simm.s32 $0xD000  }
0x13: {  	s19 =	simm.s32 $0x2;
	s21 =	simm.s32 $0x3;
	s8 =	sadd.s32 s9, s23  }
0x14: {  	s14 =	sshrl.u32 s14, $0x3;
	s9 =	sadd.s32 s9, s25;
	s10 =	sadd.s32 $0x180000, s6  }
0x15: {  	s7 =	sadd.s32 $0x400, s8;
	s8 =	sadd.s32 s11, s14;
	s14 =	sor.u32 s22, s26  }
0x16: {  	s13 =	sadd.s32 $0x18000, s31;
	s23 =	simm.s32 $0x0;
	s14 =	sshrl.u32 s14, $0x3  }
0x17: {  	s22 =	simm.s32 $0x4;
	s11 =	sadd.s32 s11, s14;
	s14 =	simm.s32 $0x5  }
.LBB2_1:
0x18: {  	[tilespmem:s3], [sflag:$0x5] =	stream.linear.gather [hbm4b:s1+s3], $0xC000, $0x38;
	[tilespmem:$0x1E000] =	vst v63  }
0x19: {  	_ =	swait.ge [sflag:s14], $0xC000  }
0x1a: {  	[sflag:s14] =	ssyncset.done $0x0  }
0x1b: {  	[sflag:s14] =	ssyncadd.s32 $0xFFFF4000  }
0x1c: {  	[tilespmem:s15], [sflag:$0x1] =	stream.linear.gather [hbm4b:s4+s3], $0x1000, $0x38;
	[tilespmem:$0x1E000] =	vst v63  }
0x1d: {  	_ = 	snop  }
0x1e: {  	[tilespmem:s16], [sflag:$0x2] =	stream.linear.gather [hbm4b:s5+s3], $0x1000, $0x38;
	[tilespmem:$0x1E000] =	vst v63  }
0x1f: {  	_ =	swait.ge [sflag:s17], $0x1000  }
0x20: {  	[sflag:s17] =	ssyncset.done $0x0  }
0x21: {  	[sflag:s17] =	ssyncadd.s32 $0xFFFFF000  }
0x22: {  	[hbm4b:s6+s3] =	stream.linear.scatter [tilespmem:s18], [sflag:$0x3], $0x8000, $0x38;
	[tilespmem:$0x1E000] =	vst v63  }
0x23: {  	_ = 	snop  }
0x24: {  	[tilespmem:s15], [sflag:$0x1] =	stream.linear.gather [hbm4b:s7+s3], $0x1000, $0x38;
	[tilespmem:$0x1E000] =	vst v63  }
0x25: {  	_ =	swait.ge [sflag:s19], $0x1000  }
0x26: {  	[sflag:s19] =	ssyncset.done $0x0  }
0x27: {  	s24 =	sadd.s32 $0x0, s4;
	[sflag:s19] =	ssyncadd.s32 $0xFFFFF000  }
0x28: {  	[hbm4b:s8+s3] =	stream.linear.scatter [tilespmem:s20], [sflag:$0x4], $0x8000, $0x38;
	[tilespmem:$0x1E000] =	vst v63  }
0x29: {  	s25 =	sadd.s32 $0x600, s24  }
0x2a: {  	[tilespmem:s16], [sflag:$0x2] =	stream.linear.gather [hbm4b:s25+s3], $0x1000, $0x38;
	[tilespmem:$0x1E000] =	vst v63  }
0x2b: {  	_ =	swait.ge [sflag:s21], $0x8000  }
0x2c: {  	[sflag:s21] =	ssyncset.done $0x0  }
0x2d: {  	[sflag:s21] =	ssyncadd.s32 $0xFFFF8000  }
0x2e: {  	_ =	swait.ge [sflag:s17], $0x1000  }
0x2f: {  	[sflag:s17] =	ssyncset.done $0x0  }
0x30: {  	s31 =	sadd.s32 $0xFFFF8000, s13;
	[sflag:s17] =	ssyncadd.s32 $0xFFFFF000  }
0x31: {  	[hbm4b:s31+s3] =	stream.linear.scatter [tilespmem:s18], [sflag:$0x3], $0x8000, $0x38;
	[tilespmem:$0x1E000] =	vst v63  }
0x32: {  	s24 =	sadd.s32 $0x800, s24  }
0x33: {  	[tilespmem:s15], [sflag:$0x1] =	stream.linear.gather [hbm4b:s24+s3], $0x1000, $0x38;
	[tilespmem:$0x1E000] =	vst v63  }
0x34: {  	_ =	swait.ge [sflag:s22], $0x8000  }
0x35: {  	[sflag:s22] =	ssyncset.done $0x0  }
0x36: {  	[sflag:s22] =	ssyncadd.s32 $0xFFFF8000  }
0x37: {  	_ =	swait.ge [sflag:s19], $0x1000  }
0x38: {  	s28 =	simm.s32 $0x800;
	s26 =	smov.u32 s13;
	[sflag:s19] =	ssyncset.done $0x0  }
0x39: {  	s25 =	sadd.s32 $0x400, s4;
	s24 =	sadd.s32 $0x10000, s13;
	[sflag:s19] =	ssyncadd.s32 $0xFFFFF000  }
.LBB2_2:
0x3a: {  	[hbm4b:s26+s3] =	stream.linear.scatter [tilespmem:s20], [sflag:$0x4], $0x8000, $0x38;
	[tilespmem:$0x1E000] =	vst v63  }
0x3b: {  	s29 =	smov.u32 s28;
	s26 =	smov.u32 s24  }
0x3c: {  	s30 =	sadd.s32 $0x400, s28;
	s31 =	sadd.s32 $0x600, s25;
	s29 =	sadd.s32 s29, s4  }
0x3d: {  	[tilespmem:s16], [sflag:$0x2] =	stream.linear.gather [hbm4b:s31+s3], $0x1000, $0x38;
	[tilespmem:$0x1E000] =	vst v63  }
0x3e: {  	p0 =	sne.s32 s28, $0x5800;
	_ =	swait.ge [sflag:s21], $0x8000  }
0x3f: {  	[sflag:s21] =	ssyncset.done $0x0  }
0x40: {  	[sflag:s21] =	ssyncadd.s32 $0xFFFF8000  }
0x41: {  	_ =	swait.ge [sflag:s17], $0x1000  }
0x42: {  	[sflag:s17] =	ssyncset.done $0x0  }
0x43: {  	s28 =	sadd.s32 $0xFFFF8000, s24;
	[sflag:s17] =	ssyncadd.s32 $0xFFFFF000  }
0x44: {  	[hbm4b:s28+s3] =	stream.linear.scatter [tilespmem:s18], [sflag:$0x3], $0x8000, $0x38;
	[tilespmem:$0x1E000] =	vst v63  }
0x45: {  	s28 =	sadd.s32 $0x800, s25;
	s25 =	smov.u32 s29  }
0x46: {  	[tilespmem:s15], [sflag:$0x1] =	stream.linear.gather [hbm4b:s28+s3], $0x1000, $0x38;
	[tilespmem:$0x1E000] =	vst v63  }
0x47: {  	_ =	swait.ge [sflag:s22], $0x8000  }
.Ltmp0:
0x48: {  	[sflag:s22] =	ssyncset.done $0x0;
	(pc) =	sbr.rel @p0 .LBB2_2-.Ltmp0, $4  }
0x49: {  	[sflag:s22] =	ssyncadd.s32 $0xFFFF8000  }
0x4a: {  	_ =	swait.ge [sflag:s19], $0x1000  }
0x4b: {  	[sflag:s19] =	ssyncset.done $0x0  }
0x4c: {  	s24 =	sadd.s32 $0x10000, s24;
	s28 =	smov.u32 s30;
	[sflag:s19] =	ssyncadd.s32 $0xFFFFF000  }
0x4d: {  	[hbm4b:s26+s3] =	stream.linear.scatter [tilespmem:s20], [sflag:$0x4], $0x8000, $0x38;
	[tilespmem:$0x1E000] =	vst v63  }
0x4e: {  	s29 =	sadd.s32 $0x600, s25  }
0x4f: {  	[tilespmem:s16], [sflag:$0x2] =	stream.linear.gather [hbm4b:s29+s3], $0x1000, $0x38;
	[tilespmem:$0x1E000] =	vst v63  }
0x50: {  	_ =	swait.ge [sflag:s21], $0x8000  }
0x51: {  	[sflag:s21] =	ssyncset.done $0x0  }
0x52: {  	[sflag:s21] =	ssyncadd.s32 $0xFFFF8000  }
0x53: {  	_ =	swait.ge [sflag:s17], $0x1000  }
0x54: {  	[sflag:s17] =	ssyncset.done $0x0  }
0x55: {  	s30 =	sadd.s32 $0xFFFF8000, s24;
	[sflag:s17] =	ssyncadd.s32 $0xFFFFF000  }
0x56: {  	[hbm4b:s30+s3] =	stream.linear.scatter [tilespmem:s18], [sflag:$0x3], $0x8000, $0x38;
	[tilespmem:$0x1E000] =	vst v63  }
0x57: {  	s31 =	sadd.s32 $0x800, s25  }
0x58: {  	[tilespmem:s15], [sflag:$0x1] =	stream.linear.gather [hbm4b:s31+s3], $0x1000, $0x38;
	[tilespmem:$0x1E000] =	vst v63  }
0x59: {  	_ =	swait.ge [sflag:s22], $0x8000  }
0x5a: {  	[sflag:s22] =	ssyncset.done $0x0  }
0x5b: {  	[sflag:s22] =	ssyncadd.s32 $0xFFFF8000  }
0x5c: {  	_ =	swait.ge [sflag:s19], $0x1000  }
0x5d: {  	[sflag:s19] =	ssyncset.done $0x0  }
0x5e: {  	[sflag:s19] =	ssyncadd.s32 $0xFFFFF000  }
0x5f: {  	[hbm4b:s24+s3] =	stream.linear.scatter [tilespmem:s20], [sflag:$0x4], $0x8000, $0x38;
	[tilespmem:$0x1E000] =	vst v63  }
0x60: {  	_ = 	snop  }
0x61: {  	[tilespmem:s16], [sflag:$0x2] =	stream.linear.gather [hbm4b:s9+s3], $0x1000, $0x38;
	[tilespmem:$0x1E000] =	vst v63  }
0x62: {  	_ =	swait.ge [sflag:s21], $0x8000  }
0x63: {  	[sflag:s21] =	ssyncset.done $0x0  }
0x64: {  	[sflag:s21] =	ssyncadd.s32 $0xFFFF8000  }
0x65: {  	_ =	swait.ge [sflag:s17], $0x1000  }
0x66: {  	[sflag:s17] =	ssyncset.done $0x0  }
0x67: {  	[sflag:s17] =	ssyncadd.s32 $0xFFFFF000  }
0x68: {  	[hbm4b:s10+s3] =	stream.linear.scatter [tilespmem:s18], [sflag:$0x3], $0x8000, $0x38;
	[tilespmem:$0x1E000] =	vst v63  }
0x69: {  	_ =	swait.ge [sflag:s22], $0x8000  }
0x6a: {  	[sflag:s22] =	ssyncset.done $0x0  }
0x6b: {  	[sflag:s22] =	ssyncadd.s32 $0xFFFF8000  }
0x6c: {  	_ =	swait.ge [sflag:s19], $0x1000  }
0x6d: {  	[sflag:s19] =	ssyncset.done $0x0  }
0x6e: {  	s23 =	sadd.s32 $0x1, s23;
	[sflag:s19] =	ssyncadd.s32 $0xFFFFF000  }
0x6f: {  	[hbm4b:s11+s3] =	stream.linear.scatter [tilespmem:s20], [sflag:$0x4], $0x8000, $0x38;
	[tilespmem:$0x1E000] =	vst v63  }
0x70: {  	p0 =	sne.s32 s23, s12;
	_ =	swait.ge [sflag:s21], $0x8000  }
.Ltmp1:
0x71: {  	[sflag:s21] =	ssyncset.done $0x0;
	(pc) =	sbr.rel @p0 .LBB2_1-.Ltmp1, $4  }
0x72: {  	[sflag:s21] =	ssyncadd.s32 $0xFFFF8000  }
0x73: {  	_ =	swait.ge [sflag:s22], $0x8000  }
0x74: {  	[sflag:s22] =	ssyncset.done $0x0  }
0x75: {  	[sflag:s22] =	ssyncadd.s32 $0xFFFF8000  }
0x76: {  	_ =	sfence.sel $0x180000  }
0x77: {  	[bflag:$0x0] =	sbarrier.arrive $0xFFFF  }
0x78: {  	p0 =	sne.s32 s2, $0x0;
	_ =	strace $0x90000047  }
0x79: {  	s0 =	sadd.s32 @!p0 $0x100000, s0;
	[bflag:$0x2] =	sbarrier.arrive $0xFFFF  }
0x7a: {  	[sflag:s0] =	ssyncadd.tile.s32 @!p0 $0x1;
	_ =	shalt  }
.Lfunc_end2:
_tile_overlayer_lowered:
.L_overlay_start_2:
0x7b: {  	(tag) =	ssettag $0x2  }
0x7c: {  	s0 =	rddreg [dreg:$0x0];
	s2 =	stileid.u32  }
0x7d: {  	s1 =	rddreg [dreg:$0x1];
	p0 =	sne.s32 s2, $0x0  }
0x7e: {  	s3 =	rddreg [dreg:$0x2];
	[bflag:$0x3] =	sbarrier.arrive $0xFFFF;
	s2 =	simm.s32 @!p0 $0x1C05  }
0x7f: {  	[timem:s3], [sflag:s2] =	dma.local @!p0 [hbm:s0], s1  }
0x80: {  	s0 =	simm.s32 @!p0 $0x5  }
0x81: {  	_ =	swait.ge @!p0 [sflag:s0], s1  }
0x82: {  	s1 =	ssub.s32 @!p0 $0x0, s1;
	[sflag:s0] =	ssyncset.done @!p0 $0x0  }
0x83: {  	[sflag:s0] =	ssyncadd.s32 @!p0 s1  }
0x84: {  	[bflag:$0x3] =	sbarrier.arrive $0xFFFF  }
0x85: {  	_ =	shalt  }

</sc_bundles>
